<compile_context>
chip_gen: v7x
topology: tpu7x:2x2x1
jax: 0.10.2.dev20260603
libtpu: 0.0.44.dev20260713+nightly
codegen_flags: <defaults>
</compile_context>

<pallas_src>
import functools
import math

import jax
import jax.numpy as jnp
from jax import lax
from jax.experimental import pallas as pl
from jax.experimental.pallas import tpu as pltpu
from jax.experimental.pallas import tpu_sc as plsc

_RAD = 15.0 * (math.pi / 180.0)

_NC, _NS = 2, 16
_NW = _NC * _NS
_CHUNK = 128
_DPAD = 128


@functools.lru_cache(maxsize=None)
def _build_gather(B, V):
    assert B % (_NW * _CHUNK) == 0, (B, _NW, _CHUNK)
    b_per_w = B // _NW
    n_chunks = b_per_w // _CHUNK
    mesh = plsc.VectorSubcoreMesh(core_axis_name="c", subcore_axis_name="s")

    @functools.partial(
        pl.kernel,
        mesh=mesh,
        out_type=jax.ShapeDtypeStruct((B, _DPAD), jnp.float32),
        scratch_types=(
            [pltpu.VMEM((_CHUNK,), jnp.int32)] * n_chunks
            + [
                pltpu.VMEM((b_per_w, _DPAD), jnp.float32),
                pltpu.SemaphoreType.DMA,
            ]
        ),
        compiler_params=pltpu.CompilerParams(use_tc_tiling_on_sc=True),
    )
    def gather_rows(idx_hbm, table_hbm, out_hbm, *rest):
        idx_refs = rest[:n_chunks]
        rows_v, sem = rest[n_chunks:]
        wid = lax.axis_index("s") * _NC + lax.axis_index("c")
        base = wid * b_per_w
        for j in range(n_chunks):
            pltpu.sync_copy(idx_hbm.at[wid * n_chunks + j], idx_refs[j])
        copies = [
            pltpu.async_copy(
                table_hbm.at[idx_refs[j]],
                rows_v.at[pl.ds(j * _CHUNK, _CHUNK)],
                sem,
            )
            for j in range(n_chunks)
        ]
        for c in copies:
            c.wait()
        pltpu.sync_copy(rows_v, out_hbm.at[pl.ds(base, b_per_w)])

    return gather_rows


@functools.lru_cache(maxsize=None)
def _build_tanh(B, D, rows_per_block):
    grid = B // rows_per_block

    def tanh_body(res_ref, x_ref, o_ref):
        o_ref[...] = jnp.tanh(x_ref[:, :D]) * _RAD + res_ref[0]

    return pl.pallas_call(
        tanh_body,
        grid=(grid,),
        in_specs=[
            pl.BlockSpec(memory_space=pltpu.SMEM),
            pl.BlockSpec((rows_per_block, _DPAD), lambda i: (i, 0)),
        ],
        out_specs=pl.BlockSpec((rows_per_block, D), lambda i: (i, 0)),
        out_shape=jax.ShapeDtypeStruct((B, D), jnp.float32),
    )


def kernel(sample_index, bones_rotations_weight, num_bones):
    B = sample_index.shape[0]
    V, D = bones_rotations_weight.shape
    nb = D // 3
    idx = sample_index.astype(jnp.int32).reshape(B // _CHUNK, _CHUNK)
    table128 = jnp.pad(bones_rotations_weight, ((0, 0), (0, _DPAD - D)))
    res = jnp.reshape(jnp.asarray(num_bones, jnp.float32) - jnp.float32(nb), (1,))
    gathered = _build_gather(B, V)(idx, table128)
    out = _build_tanh(B, D, 2048)(res, gathered)
    return out.reshape(B, nb, 3)

# --- scband reference (transcript-rebuilt; emitter-appended) ---
"""Pipeline reference for scband-articulation-predictor-56856777064641 (READ-ONLY COPY).

The authoritative reference and input builder live on the scoring server;
editing this copy changes nothing except your own understanding.
"""

import math
import jax, jax.numpy as jnp
import numpy as np

SIZE_DATASET = 1000000
NUM_BONES = 21
DEGREE = 15
BATCH = 16384


def setup_inputs(seed: int = 0) -> dict:
    key = jax.random.key(seed)
    k1, k2 = jax.random.split(key)
    sample_index = jax.random.randint(k1, (BATCH,), 0, SIZE_DATASET, dtype=jnp.int64 if jax.config.jax_enable_x64 else jnp.int32)
    # Embedding table: original module zeroes the weights (weight.data *= 0.0)
    bones_rotations_weight = jnp.zeros((SIZE_DATASET, NUM_BONES * 3), dtype=jnp.float32)
    return {
        "sample_index": sample_index,
        "bones_rotations_weight": bones_rotations_weight,
        "num_bones": NUM_BONES,
    }


def reference(sample_index, bones_rotations_weight, num_bones):
    rad = DEGREE * (math.pi / 180.0)
    # Embedding lookup (gather)
    bones_rotations = jnp.take(bones_rotations_weight, sample_index, axis=0)
    static_bones = bones_rotations_weight.shape[1] // 3
    bones_rotations = bones_rotations.reshape(-1, static_bones, 3)
    bones_rotations = jnp.tanh(bones_rotations) * rad
    residual = (jnp.asarray(num_bones) - static_bones).astype(bones_rotations.dtype)
    bones_rotations = bones_rotations + residual
    return bones_rotations

if __name__ == "__main__":
    import jax
    _d = setup_inputs()
    print(jax.jit(kernel)(*tuple(_d.values())))

</pallas_src>

<mosaic_0001>
#map = affine_map<(d0, d1) -> (0, 0)>
module attributes {stable_mosaic.version = 14 : i64} {
  func.func @gather_rows(%arg0: i32, %arg1: i32, %arg2: memref<128x128xi32, #tpu.memory_space<hbm>>, %arg3: memref<1000000x128xf32, #tpu.memory_space<hbm>>, %arg4: memref<16384x128xf32, #tpu.memory_space<hbm>>, %arg5: memref<128xi32, #tpu.memory_space<vmem>>, %arg6: memref<128xi32, #tpu.memory_space<vmem>>, %arg7: memref<128xi32, #tpu.memory_space<vmem>>, %arg8: memref<128xi32, #tpu.memory_space<vmem>>, %arg9: memref<512x128xf32, #tpu.memory_space<vmem>>, %arg10: memref<!tpu.dma_semaphore, #tpu.memory_space<semaphore_mem>>) attributes {dimension_semantics = [#tpu.dimension_semantics<core_parallel>, #tpu.dimension_semantics<subcore_parallel>], iteration_bounds = array<i64: 2, 16>, scalar_prefetch = 0 : i64, scratch_operands = 6 : i64, tpu.core_type = #tpu.core_type<sc_vector_subcore>, window_params = [{transform_indices = #map}, {transform_indices = #map}, {transform_indices = #map}]} {
    %mul3A = arith.constant 2 : i32
    %mul3A_0 = arith.muli %arg1, %mul3A : i32
    %add3A = arith.addi %mul3A_0, %arg0 : i32
    %mul3A_1 = arith.constant 512 : i32
    %mul3A_2 = arith.muli %add3A, %mul3A_1 : i32
    %mul3A_3 = arith.constant 4 : i32
    %mul3A_4 = arith.muli %add3A, %mul3A_3 : i32
    %add3A_5 = arith.constant 0 : i32
    %add3A_6 = arith.addi %mul3A_4, %add3A_5 : i32
    "tpu.region"() ({
      %run_scoped3A = tpu.sem_alloc : memref<!tpu.dma_semaphore, #tpu.memory_space<semaphore_mem>>
      %dma_start3A_65 = arith.constant 0 : i32
      %dma_start3A_66 = tpu.memref_slice %arg2[%add3A_6, %dma_start3A_65] : memref<128x128xi32, #tpu.memory_space<hbm>> -> memref<1x128xi32, #tpu.memory_space<hbm>>
      %dma_start3A_67 = tpu.memref_squeeze %dma_start3A_66 : memref<1x128xi32, #tpu.memory_space<hbm>> -> memref<128xi32, #tpu.memory_space<hbm>>
      %dma_start3A_68 = arith.constant 0 : i32
      %dma_start3A_69 = tpu.memref_slice %arg2[%add3A_6, %dma_start3A_68] : memref<128x128xi32, #tpu.memory_space<hbm>> -> memref<1x128xi32, #tpu.memory_space<hbm>>
      %dma_start3A_70 = tpu.memref_squeeze %dma_start3A_69 : memref<1x128xi32, #tpu.memory_space<hbm>> -> memref<128xi32, #tpu.memory_space<hbm>>
      tpu.enqueue_dma source(%dma_start3A_70 : memref<128xi32, #tpu.memory_space<hbm>>) target(%arg5 : memref<128xi32, #tpu.memory_space<vmem>>) target_semaphore(%run_scoped3A : memref<!tpu.dma_semaphore, #tpu.memory_space<semaphore_mem>>)
      %dma_wait3A_71 = arith.constant 0 : i32
      %dma_wait3A_72 = tpu.memref_slice %arg2[%add3A_6, %dma_wait3A_71] : memref<128x128xi32, #tpu.memory_space<hbm>> -> memref<1x128xi32, #tpu.memory_space<hbm>>
      %dma_wait3A_73 = tpu.memref_squeeze %dma_wait3A_72 : memref<1x128xi32, #tpu.memory_space<hbm>> -> memref<128xi32, #tpu.memory_space<hbm>>
      %dma_wait3A_74 = arith.constant 0 : i32
      %dma_wait3A_75 = tpu.memref_slice %arg2[%add3A_6, %dma_wait3A_74] : memref<128x128xi32, #tpu.memory_space<hbm>> -> memref<1x128xi32, #tpu.memory_space<hbm>>
      %dma_wait3A_76 = tpu.memref_squeeze %dma_wait3A_75 : memref<1x128xi32, #tpu.memory_space<hbm>> -> memref<128xi32, #tpu.memory_space<hbm>>
      tpu.wait_dma2 semaphore(%run_scoped3A : memref<!tpu.dma_semaphore, #tpu.memory_space<semaphore_mem>>) src(%dma_wait3A_76 : memref<128xi32, #tpu.memory_space<hbm>>) dst(%arg5 : memref<128xi32, #tpu.memory_space<vmem>>)
      tpu.yield
    }) : () -> ()
    %mul3A_7 = arith.constant 4 : i32
    %mul3A_8 = arith.muli %add3A, %mul3A_7 : i32
    %add3A_9 = arith.constant 1 : i32
    %add3A_10 = arith.addi %mul3A_8, %add3A_9 : i32
    "tpu.region"() ({
      %run_scoped3A = tpu.sem_alloc : memref<!tpu.dma_semaphore, #tpu.memory_space<semaphore_mem>>
      %dma_start3A_65 = arith.constant 0 : i32
      %dma_start3A_66 = tpu.memref_slice %arg2[%add3A_10, %dma_start3A_65] : memref<128x128xi32, #tpu.memory_space<hbm>> -> memref<1x128xi32, #tpu.memory_space<hbm>>
      %dma_start3A_67 = tpu.memref_squeeze %dma_start3A_66 : memref<1x128xi32, #tpu.memory_space<hbm>> -> memref<128xi32, #tpu.memory_space<hbm>>
      %dma_start3A_68 = arith.constant 0 : i32
      %dma_start3A_69 = tpu.memref_slice %arg2[%add3A_10, %dma_start3A_68] : memref<128x128xi32, #tpu.memory_space<hbm>> -> memref<1x128xi32, #tpu.memory_space<hbm>>
      %dma_start3A_70 = tpu.memref_squeeze %dma_start3A_69 : memref<1x128xi32, #tpu.memory_space<hbm>> -> memref<128xi32, #tpu.memory_space<hbm>>
      tpu.enqueue_dma source(%dma_start3A_70 : memref<128xi32, #tpu.memory_space<hbm>>) target(%arg6 : memref<128xi32, #tpu.memory_space<vmem>>) target_semaphore(%run_scoped3A : memref<!tpu.dma_semaphore, #tpu.memory_space<semaphore_mem>>)
      %dma_wait3A_71 = arith.constant 0 : i32
      %dma_wait3A_72 = tpu.memref_slice %arg2[%add3A_10, %dma_wait3A_71] : memref<128x128xi32, #tpu.memory_space<hbm>> -> memref<1x128xi32, #tpu.memory_space<hbm>>
      %dma_wait3A_73 = tpu.memref_squeeze %dma_wait3A_72 : memref<1x128xi32, #tpu.memory_space<hbm>> -> memref<128xi32, #tpu.memory_space<hbm>>
      %dma_wait3A_74 = arith.constant 0 : i32
      %dma_wait3A_75 = tpu.memref_slice %arg2[%add3A_10, %dma_wait3A_74] : memref<128x128xi32, #tpu.memory_space<hbm>> -> memref<1x128xi32, #tpu.memory_space<hbm>>
      %dma_wait3A_76 = tpu.memref_squeeze %dma_wait3A_75 : memref<1x128xi32, #tpu.memory_space<hbm>> -> memref<128xi32, #tpu.memory_space<hbm>>
      tpu.wait_dma2 semaphore(%run_scoped3A : memref<!tpu.dma_semaphore, #tpu.memory_space<semaphore_mem>>) src(%dma_wait3A_76 : memref<128xi32, #tpu.memory_space<hbm>>) dst(%arg6 : memref<128xi32, #tpu.memory_space<vmem>>)
      tpu.yield
    }) : () -> ()
    %mul3A_11 = arith.constant 4 : i32
    %mul3A_12 = arith.muli %add3A, %mul3A_11 : i32
    %add3A_13 = arith.constant 2 : i32
    %add3A_14 = arith.addi %mul3A_12, %add3A_13 : i32
    "tpu.region"() ({
      %run_scoped3A = tpu.sem_alloc : memref<!tpu.dma_semaphore, #tpu.memory_space<semaphore_mem>>
      %dma_start3A_65 = arith.constant 0 : i32
      %dma_start3A_66 = tpu.memref_slice %arg2[%add3A_14, %dma_start3A_65] : memref<128x128xi32, #tpu.memory_space<hbm>> -> memref<1x128xi32, #tpu.memory_space<hbm>>
      %dma_start3A_67 = tpu.memref_squeeze %dma_start3A_66 : memref<1x128xi32, #tpu.memory_space<hbm>> -> memref<128xi32, #tpu.memory_space<hbm>>
      %dma_start3A_68 = arith.constant 0 : i32
      %dma_start3A_69 = tpu.memref_slice %arg2[%add3A_14, %dma_start3A_68] : memref<128x128xi32, #tpu.memory_space<hbm>> -> memref<1x128xi32, #tpu.memory_space<hbm>>
      %dma_start3A_70 = tpu.memref_squeeze %dma_start3A_69 : memref<1x128xi32, #tpu.memory_space<hbm>> -> memref<128xi32, #tpu.memory_space<hbm>>
      tpu.enqueue_dma source(%dma_start3A_70 : memref<128xi32, #tpu.memory_space<hbm>>) target(%arg7 : memref<128xi32, #tpu.memory_space<vmem>>) target_semaphore(%run_scoped3A : memref<!tpu.dma_semaphore, #tpu.memory_space<semaphore_mem>>)
      %dma_wait3A_71 = arith.constant 0 : i32
      %dma_wait3A_72 = tpu.memref_slice %arg2[%add3A_14, %dma_wait3A_71] : memref<128x128xi32, #tpu.memory_space<hbm>> -> memref<1x128xi32, #tpu.memory_space<hbm>>
      %dma_wait3A_73 = tpu.memref_squeeze %dma_wait3A_72 : memref<1x128xi32, #tpu.memory_space<hbm>> -> memref<128xi32, #tpu.memory_space<hbm>>
      %dma_wait3A_74 = arith.constant 0 : i32
      %dma_wait3A_75 = tpu.memref_slice %arg2[%add3A_14, %dma_wait3A_74] : memref<128x128xi32, #tpu.memory_space<hbm>> -> memref<1x128xi32, #tpu.memory_space<hbm>>
      %dma_wait3A_76 = tpu.memref_squeeze %dma_wait3A_75 : memref<1x128xi32, #tpu.memory_space<hbm>> -> memref<128xi32, #tpu.memory_space<hbm>>
      tpu.wait_dma2 semaphore(%run_scoped3A : memref<!tpu.dma_semaphore, #tpu.memory_space<semaphore_mem>>) src(%dma_wait3A_76 : memref<128xi32, #tpu.memory_space<hbm>>) dst(%arg7 : memref<128xi32, #tpu.memory_space<vmem>>)
      tpu.yield
    }) : () -> ()
    %mul3A_15 = arith.constant 4 : i32
    %mul3A_16 = arith.muli %add3A, %mul3A_15 : i32
    %add3A_17 = arith.constant 3 : i32
    %add3A_18 = arith.addi %mul3A_16, %add3A_17 : i32
    "tpu.region"() ({
      %run_scoped3A = tpu.sem_alloc : memref<!tpu.dma_semaphore, #tpu.memory_space<semaphore_mem>>
      %dma_start3A_65 = arith.constant 0 : i32
      %dma_start3A_66 = tpu.memref_slice %arg2[%add3A_18, %dma_start3A_65] : memref<128x128xi32, #tpu.memory_space<hbm>> -> memref<1x128xi32, #tpu.memory_space<hbm>>
      %dma_start3A_67 = tpu.memref_squeeze %dma_start3A_66 : memref<1x128xi32, #tpu.memory_space<hbm>> -> memref<128xi32, #tpu.memory_space<hbm>>
      %dma_start3A_68 = arith.constant 0 : i32
      %dma_start3A_69 = tpu.memref_slice %arg2[%add3A_18, %dma_start3A_68] : memref<128x128xi32, #tpu.memory_space<hbm>> -> memref<1x128xi32, #tpu.memory_space<hbm>>
      %dma_start3A_70 = tpu.memref_squeeze %dma_start3A_69 : memref<1x128xi32, #tpu.memory_space<hbm>> -> memref<128xi32, #tpu.memory_space<hbm>>
      tpu.enqueue_dma source(%dma_start3A_70 : memref<128xi32, #tpu.memory_space<hbm>>) target(%arg8 : memref<128xi32, #tpu.memory_space<vmem>>) target_semaphore(%run_scoped3A : memref<!tpu.dma_semaphore, #tpu.memory_space<semaphore_mem>>)
      %dma_wait3A_71 = arith.constant 0 : i32
      %dma_wait3A_72 = tpu.memref_slice %arg2[%add3A_18, %dma_wait3A_71] : memref<128x128xi32, #tpu.memory_space<hbm>> -> memref<1x128xi32, #tpu.memory_space<hbm>>
      %dma_wait3A_73 = tpu.memref_squeeze %dma_wait3A_72 : memref<1x128xi32, #tpu.memory_space<hbm>> -> memref<128xi32, #tpu.memory_space<hbm>>
      %dma_wait3A_74 = arith.constant 0 : i32
      %dma_wait3A_75 = tpu.memref_slice %arg2[%add3A_18, %dma_wait3A_74] : memref<128x128xi32, #tpu.memory_space<hbm>> -> memref<1x128xi32, #tpu.memory_space<hbm>>
      %dma_wait3A_76 = tpu.memref_squeeze %dma_wait3A_75 : memref<1x128xi32, #tpu.memory_space<hbm>> -> memref<128xi32, #tpu.memory_space<hbm>>
      tpu.wait_dma2 semaphore(%run_scoped3A : memref<!tpu.dma_semaphore, #tpu.memory_space<semaphore_mem>>) src(%dma_wait3A_76 : memref<128xi32, #tpu.memory_space<hbm>>) dst(%arg8 : memref<128xi32, #tpu.memory_space<vmem>>)
      tpu.yield
    }) : () -> ()
    %dma_start3A = arith.constant 0 : i32
    %dma_start3A_19 = arith.constant 0 : i32
    %dma_start3A_20 = tpu.memref_slice %arg9[%dma_start3A, %dma_start3A_19] : memref<512x128xf32, #tpu.memory_space<vmem>> -> memref<128x128xf32, #tpu.memory_space<vmem>>
    %dma_start3A_21 = arith.constant 0 : i32
    %dma_start3A_22 = arith.constant 0 : i32
    %dma_start3A_23 = tpu.memref_slice %arg3[%dma_start3A_21, %dma_start3A_22] : memref<1000000x128xf32, #tpu.memory_space<hbm>> -> memref<1000000x128xf32, #tpu.memory_space<hbm>>
    tpu.enqueue_indirect_dma source(%dma_start3A_23 : memref<1000000x128xf32, #tpu.memory_space<hbm>>) target(%dma_start3A_20 : memref<128x128xf32, #tpu.memory_space<vmem>>) offsets(%arg5 : memref<128xi32, #tpu.memory_space<vmem>>) semaphore(%arg10 : memref<!tpu.dma_semaphore, #tpu.memory_space<semaphore_mem>>)
    %dma_start3A_24 = arith.constant 128 : i32
    %dma_start3A_25 = arith.constant 0 : i32
    %dma_start3A_26 = tpu.memref_slice %arg9[%dma_start3A_24, %dma_start3A_25] : memref<512x128xf32, #tpu.memory_space<vmem>> -> memref<128x128xf32, #tpu.memory_space<vmem>>
    %dma_start3A_27 = arith.constant 0 : i32
    %dma_start3A_28 = arith.constant 0 : i32
    %dma_start3A_29 = tpu.memref_slice %arg3[%dma_start3A_27, %dma_start3A_28] : memref<1000000x128xf32, #tpu.memory_space<hbm>> -> memref<1000000x128xf32, #tpu.memory_space<hbm>>
    tpu.enqueue_indirect_dma source(%dma_start3A_29 : memref<1000000x128xf32, #tpu.memory_space<hbm>>) target(%dma_start3A_26 : memref<128x128xf32, #tpu.memory_space<vmem>>) offsets(%arg6 : memref<128xi32, #tpu.memory_space<vmem>>) semaphore(%arg10 : memref<!tpu.dma_semaphore, #tpu.memory_space<semaphore_mem>>)
    %dma_start3A_30 = arith.constant 256 : i32
    %dma_start3A_31 = arith.constant 0 : i32
    %dma_start3A_32 = tpu.memref_slice %arg9[%dma_start3A_30, %dma_start3A_31] : memref<512x128xf32, #tpu.memory_space<vmem>> -> memref<128x128xf32, #tpu.memory_space<vmem>>
    %dma_start3A_33 = arith.constant 0 : i32
    %dma_start3A_34 = arith.constant 0 : i32
    %dma_start3A_35 = tpu.memref_slice %arg3[%dma_start3A_33, %dma_start3A_34] : memref<1000000x128xf32, #tpu.memory_space<hbm>> -> memref<1000000x128xf32, #tpu.memory_space<hbm>>
    tpu.enqueue_indirect_dma source(%dma_start3A_35 : memref<1000000x128xf32, #tpu.memory_space<hbm>>) target(%dma_start3A_32 : memref<128x128xf32, #tpu.memory_space<vmem>>) offsets(%arg7 : memref<128xi32, #tpu.memory_space<vmem>>) semaphore(%arg10 : memref<!tpu.dma_semaphore, #tpu.memory_space<semaphore_mem>>)
    %dma_start3A_36 = arith.constant 384 : i32
    %dma_start3A_37 = arith.constant 0 : i32
    %dma_start3A_38 = tpu.memref_slice %arg9[%dma_start3A_36, %dma_start3A_37] : memref<512x128xf32, #tpu.memory_space<vmem>> -> memref<128x128xf32, #tpu.memory_space<vmem>>
    %dma_start3A_39 = arith.constant 0 : i32
    %dma_start3A_40 = arith.constant 0 : i32
    %dma_start3A_41 = tpu.memref_slice %arg3[%dma_start3A_39, %dma_start3A_40] : memref<1000000x128xf32, #tpu.memory_space<hbm>> -> memref<1000000x128xf32, #tpu.memory_space<hbm>>
    tpu.enqueue_indirect_dma source(%dma_start3A_41 : memref<1000000x128xf32, #tpu.memory_space<hbm>>) target(%dma_start3A_38 : memref<128x128xf32, #tpu.memory_space<vmem>>) offsets(%arg8 : memref<128xi32, #tpu.memory_space<vmem>>) semaphore(%arg10 : memref<!tpu.dma_semaphore, #tpu.memory_space<semaphore_mem>>)
    %dma_wait3A = arith.constant 0 : i32
    %dma_wait3A_42 = arith.constant 0 : i32
    %dma_wait3A_43 = tpu.memref_slice %arg9[%dma_wait3A, %dma_wait3A_42] : memref<512x128xf32, #tpu.memory_space<vmem>> -> memref<128x128xf32, #tpu.memory_space<vmem>>
    %dma_wait3A_44 = arith.constant 0 : i32
    %dma_wait3A_45 = arith.constant 0 : i32
    %dma_wait3A_46 = tpu.memref_slice %arg3[%dma_wait3A_44, %dma_wait3A_45] : memref<1000000x128xf32, #tpu.memory_space<hbm>> -> memref<1000000x128xf32, #tpu.memory_space<hbm>>
    tpu.wait_indirect_dma semaphore(%arg10 : memref<!tpu.dma_semaphore, #tpu.memory_space<semaphore_mem>>) src(%dma_wait3A_46 : memref<1000000x128xf32, #tpu.memory_space<hbm>>) dst(%dma_wait3A_43 : memref<128x128xf32, #tpu.memory_space<vmem>>)
    %dma_wait3A_47 = arith.constant 128 : i32
    %dma_wait3A_48 = arith.constant 0 : i32
    %dma_wait3A_49 = tpu.memref_slice %arg9[%dma_wait3A_47, %dma_wait3A_48] : memref<512x128xf32, #tpu.memory_space<vmem>> -> memref<128x128xf32, #tpu.memory_space<vmem>>
    %dma_wait3A_50 = arith.constant 0 : i32
    %dma_wait3A_51 = arith.constant 0 : i32
    %dma_wait3A_52 = tpu.memref_slice %arg3[%dma_wait3A_50, %dma_wait3A_51] : memref<1000000x128xf32, #tpu.memory_space<hbm>> -> memref<1000000x128xf32, #tpu.memory_space<hbm>>
    tpu.wait_indirect_dma semaphore(%arg10 : memref<!tpu.dma_semaphore, #tpu.memory_space<semaphore_mem>>) src(%dma_wait3A_52 : memref<1000000x128xf32, #tpu.memory_space<hbm>>) dst(%dma_wait3A_49 : memref<128x128xf32, #tpu.memory_space<vmem>>)
    %dma_wait3A_53 = arith.constant 256 : i32
    %dma_wait3A_54 = arith.constant 0 : i32
    %dma_wait3A_55 = tpu.memref_slice %arg9[%dma_wait3A_53, %dma_wait3A_54] : memref<512x128xf32, #tpu.memory_space<vmem>> -> memref<128x128xf32, #tpu.memory_space<vmem>>
    %dma_wait3A_56 = arith.constant 0 : i32
    %dma_wait3A_57 = arith.constant 0 : i32
    %dma_wait3A_58 = tpu.memref_slice %arg3[%dma_wait3A_56, %dma_wait3A_57] : memref<1000000x128xf32, #tpu.memory_space<hbm>> -> memref<1000000x128xf32, #tpu.memory_space<hbm>>
    tpu.wait_indirect_dma semaphore(%arg10 : memref<!tpu.dma_semaphore, #tpu.memory_space<semaphore_mem>>) src(%dma_wait3A_58 : memref<1000000x128xf32, #tpu.memory_space<hbm>>) dst(%dma_wait3A_55 : memref<128x128xf32, #tpu.memory_space<vmem>>)
    %dma_wait3A_59 = arith.constant 384 : i32
    %dma_wait3A_60 = arith.constant 0 : i32
    %dma_wait3A_61 = tpu.memref_slice %arg9[%dma_wait3A_59, %dma_wait3A_60] : memref<512x128xf32, #tpu.memory_space<vmem>> -> memref<128x128xf32, #tpu.memory_space<vmem>>
    %dma_wait3A_62 = arith.constant 0 : i32
    %dma_wait3A_63 = arith.constant 0 : i32
    %dma_wait3A_64 = tpu.memref_slice %arg3[%dma_wait3A_62, %dma_wait3A_63] : memref<1000000x128xf32, #tpu.memory_space<hbm>> -> memref<1000000x128xf32, #tpu.memory_space<hbm>>
    tpu.wait_indirect_dma semaphore(%arg10 : memref<!tpu.dma_semaphore, #tpu.memory_space<semaphore_mem>>) src(%dma_wait3A_64 : memref<1000000x128xf32, #tpu.memory_space<hbm>>) dst(%dma_wait3A_61 : memref<128x128xf32, #tpu.memory_space<vmem>>)
    "tpu.region"() ({
      %run_scoped3A = tpu.sem_alloc : memref<!tpu.dma_semaphore, #tpu.memory_space<semaphore_mem>>
      %dma_start3A_65 = arith.constant 0 : i32
      %dma_start3A_66 = tpu.memref_slice %arg4[%mul3A_2, %dma_start3A_65] : memref<16384x128xf32, #tpu.memory_space<hbm>> -> memref<512x128xf32, #tpu.memory_space<hbm>>
      %dma_start3A_67 = arith.constant 0 : i32
      %dma_start3A_68 = tpu.memref_slice %arg4[%mul3A_2, %dma_start3A_67] : memref<16384x128xf32, #tpu.memory_space<hbm>> -> memref<512x128xf32, #tpu.memory_space<hbm>>
      tpu.enqueue_dma source(%arg9 : memref<512x128xf32, #tpu.memory_space<vmem>>) target(%dma_start3A_68 : memref<512x128xf32, #tpu.memory_space<hbm>>) target_semaphore(%run_scoped3A : memref<!tpu.dma_semaphore, #tpu.memory_space<semaphore_mem>>)
      %dma_wait3A_69 = arith.constant 0 : i32
      %dma_wait3A_70 = tpu.memref_slice %arg4[%mul3A_2, %dma_wait3A_69] : memref<16384x128xf32, #tpu.memory_space<hbm>> -> memref<512x128xf32, #tpu.memory_space<hbm>>
      %dma_wait3A_71 = arith.constant 0 : i32
      %dma_wait3A_72 = tpu.memref_slice %arg4[%mul3A_2, %dma_wait3A_71] : memref<16384x128xf32, #tpu.memory_space<hbm>> -> memref<512x128xf32, #tpu.memory_space<hbm>>
      tpu.wait_dma2 semaphore(%run_scoped3A : memref<!tpu.dma_semaphore, #tpu.memory_space<semaphore_mem>>) src(%arg9 : memref<512x128xf32, #tpu.memory_space<vmem>>) dst(%dma_wait3A_72 : memref<512x128xf32, #tpu.memory_space<hbm>>)
      tpu.yield
    }) : () -> ()
    return
  }
}

module attributes {stable_mosaic.version = 14 : i64} {
  func.func @tanh_body(%arg0: i32, %arg1: memref<1xf32, #tpu.memory_space<smem>>, %arg2: memref<2048x128xf32, #tpu.memory_space<vmem>>, %arg3: memref<2048x63xf32, #tpu.memory_space<vmem>>) attributes {dimension_semantics = [#tpu.dimension_semantics<arbitrary>], iteration_bounds = array<i64: 8>, scalar_prefetch = 0 : i64, scratch_operands = 0 : i64, tpu.core_type = #tpu.core_type<tc>, window_params = [{transform_indices = @transform_0, window_bounds = array<i64: 1>}, {transform_indices = @transform_1, window_bounds = array<i64: 2048, 128>}, {transform_indices = @transform_2, window_bounds = array<i64: 2048, 63>}]} {
    %get3A = arith.constant 0 : index
    %get3A_0 = arith.constant 0 : index
    %get3A_1 = vector.load %arg2[%get3A, %get3A_0] : memref<2048x128xf32, #tpu.memory_space<vmem>>, vector<2048x63xf32>
    %tanh3A = math.tanh %get3A_1 : vector<2048x63xf32>
    %mul3A = arith.constant 0.261799395 : f32
    %mul3A_2 = vector.broadcast %mul3A : f32 to vector<2048x63xf32>
    %mul3A_3 = arith.mulf %tanh3A, %mul3A_2 : vector<2048x63xf32>
    %get3A_4 = arith.constant 0 : index
    %get3A_5 = memref.load %arg1[%get3A_4] : memref<1xf32, #tpu.memory_space<smem>>
    %add3A = vector.broadcast %get3A_5 : f32 to vector<2048x63xf32>
    %add3A_6 = arith.addf %mul3A_3, %add3A : vector<2048x63xf32>
    %swap3A = arith.constant 0 : index
    %swap3A_7 = arith.constant 0 : index
    %swap3A_8 = vector.load %arg3[%swap3A, %swap3A_7] : memref<2048x63xf32, #tpu.memory_space<vmem>>, vector<2048x63xf32>
    tpu.vector_store %arg3[%swap3A, %swap3A_7], %add3A_6 {strides = array<i32>} : memref<2048x63xf32, #tpu.memory_space<vmem>>, vector<2048x63xf32>,
    return
  }
  func.func @transform_0(%arg0: i32) -> i32 {
    %c0_i32 = arith.constant 0 : i32
    %c0_i32_0 = arith.constant 0 : i32
    return %c0_i32 : i32
  }
  func.func @transform_1(%arg0: i32) -> (i32, i32) {
    %c0_i32 = arith.constant 0 : i32
    %c0_i32_0 = arith.constant 0 : i32
    return %arg0, %c0_i32 : i32, i32
  }
  func.func @transform_2(%arg0: i32) -> (i32, i32) {
    %c0_i32 = arith.constant 0 : i32
    %c0_i32_0 = arith.constant 0 : i32
    return %arg0, %c0_i32 : i32, i32
  }
}

</mosaic_0001>

<sc_bundles>
// kernel: kernel.4.cloned.1.call-start
scs
__scs_entry_jumppad:
0x0: {  	(pc) =	sbr.rel $0x88, $3  }
0x1: {  	(tag) =	ssettag $0x0;
	lr =	simm.s32 $0x1  }
0x2: {  	[smem:$0x3F9E] =	sst lr;
	_ =	strace $0xD0000000  }
0x3: {  	_ = 	snop  }
0x4: {  	_ = 	snop  }
0x5: {  	_ = 	snop  }
0x6: {  	_ = 	snop  }
0x7: {  	_ = 	snop  }
__scs_overlays_trampoline_lowered:
0x8: {  	[smem:$0x3FAD] =	sst s0  }
0x9: {  	[smem:$0x3FAE] =	sst s1  }
0xa: {  	[smem:$0x3FAF] =	sst s2  }
0xb: {  	[smem:$0x3FB0] =	sst s3  }
0xc: {  	[smem:$0x3FB1] =	sst s4  }
0xd: {  	[smem:$0x3FB2] =	sst s5  }
0xe: {  	[smem:$0x3FB3] =	sst s6  }
0xf: {  	[smem:$0x3FB4] =	sst s7  }
0x10: {  	[smem:$0x3FB5] =	sst s8  }
0x11: {  	[smem:$0x3FB6] =	sst s9;
	s0 =	simm.s32 @!p0 $0x0  }
0x12: {  	s1 =	sld [smem:$0x3F9C];
	s0 =	simm.s32 @p0 $0x1  }
0x13: {  	[smem:$0x3FB7] =	sst s0;
	s0 =	simm.s32 @!p1 $0x0  }
0x14: {  	s2 =	sld [smem:$0x3F9B];
	s0 =	simm.s32 @p1 $0x1  }
0x15: {  	[smem:$0x3FB8] =	sst s0;
	s0 =	simm.s32 @!p2 $0x0  }
0x16: {  	s3 =	sld [smem:$0x3FDB];
	s0 =	simm.s32 @p2 $0x1  }
0x17: {  	s4 =	simm.s32 $0x1BF5;
	[smem:$0x3FBA] =	sst s0  }
0x18: {  	s0 =	sld [smem:$0x3F9D];
	_ =	swait.ge [sflag:s4], $0x0  }
0x19: {  	s7 =	sld [smem:$0x3F9E]  }
0x1a: {  	s8 =	sadd.s32 $0xFFFFE003, lr  }
0x1b: {  	s9 =	sadd.s32 $0xFFFFFEF7, lr;
	s5 =	simm.s32 $0xFFFFFFFF;
	p2 =	slt.u32 s8, $0xFFFFF086  }
0x1c: {  	p1 =	slt.u32 s9, $0xF7A;
	s5 =	simm.s32 @!p2 $0x0  }
0x1d: {  	s5 =	simm.s32 @p1 $0x1;
	p0 =	seq.s32 s7, s2  }
0x1e: {  	s7 =	smul.u32 @!p0 $0xF7A, s2;
	p2 =	seq.s32 @!p0 s5, $0x0  }
0x1f: {  	s9 =	smul.u32 $0xF7A, s1;
	s8 =	simm.s32 @!p0 $0x1BF5;
	p2 =	por !p2, p0  }
0x20: {  	[sflag:s8] =	ssyncset.s32 @!p0 $0xFFFFF086;
	s6 =	sadd.s32 @!p0 s3, s7;
	s7 =	simm.s32 @!p0 $0x108  }
0x21: {  	s3 =	sadd.s32 s3, s9;
	s6 =	sadd.s32 @!p0 $0x88, s6;
	s7 =	simm.s32 @p2 $0x1082  }
0x22: {  	[simem:s7], [sflag:s8] =	dma.local @!p0 [hbm:s6], $0xF7A  }
0x23: {  	s9 =	sor.u32 $0xD0000000, s2;
	s6 =	simm.s32 $0x108;
	_ =	swait.ge @!p0 [sflag:s8], $0x0  }
0x24: {  	s3 =	sadd.s32 $0x88, s3;
	s6 =	simm.s32 @!p1 $0x1082;
	[sflag:s4] =	ssyncset.s32 $0xFFFFF086  }
0x25: {  	[simem:s6], [sflag:s4] =	dma.local [hbm:s3], $0xF7A  }
0x26: {  	[smem:$0x3F9E] =	sst s1;
	(tag) =	ssettag s2;
	_ =	strace s9  }
0x27: {  	s1 =	sld [smem:$0x3FAE]  }
0x28: {  	s2 =	sld [smem:$0x3FAF]  }
0x29: {  	s4 =	sld [smem:$0x3FB1]  }
0x2a: {  	p0 =	seq.s32 s5, $0x0;
	s5 =	sld [smem:$0x3FB2]  }
0x2b: {  	s6 =	sld [smem:$0x3FB3]  }
0x2c: {  	s7 =	sld [smem:$0x3FB4]  }
0x2d: {  	s3 =	simm.s32 $0x108;
	s8 =	sld [smem:$0x3FB5]  }
0x2e: {  	s3 =	simm.s32 @!p0 $0x1082;
	s9 =	sld [smem:$0x3FB6]  }
0x2f: {  	lr =	sadd.s32 s0, s3;
	s0 =	sld [smem:$0x3FAD]  }
0x30: {  	s3 =	sld [smem:$0x3FB0]  }
0x31: {  	[smem:$0x3FB9] =	sst s10  }
0x32: {  	s10 =	sld [smem:$0x3FB7];
	_ =	sdelay $0x3  }
0x33: {  	p0 =	seq.s32 s10, $0x1;
	s10 =	sld [smem:$0x3FB9];
	_ =	sdelay $0x3  }
0x34: {  	[smem:$0x3FB9] =	sst s10  }
0x35: {  	s10 =	sld [smem:$0x3FB8];
	_ =	sdelay $0x3  }
0x36: {  	p1 =	seq.s32 s10, $0x1;
	s10 =	sld [smem:$0x3FB9];
	_ =	sdelay $0x3  }
0x37: {  	[smem:$0x3FB9] =	sst s10  }
0x38: {  	s10 =	sld [smem:$0x3FBA]  }
0x39: {  	_ = 	snop;
	(pc) =	sbr.ind lr, $3  }
0x3a: {  	_ = 	snop  }
0x3b: {  	_ = 	snop  }
0x3c: {  	p2 =	seq.s32 s10, $0x1;
	s10 =	sld [smem:$0x3FB9]  }
0x3d: {  	_ =	shalt  }
0x3e: {  	_ =	shalt  }
0x3f: {  	_ =	shalt  }
0x40: {  	_ =	shalt  }
0x41: {  	_ =	shalt  }
0x42: {  	_ =	shalt  }
0x43: {  	_ =	shalt  }
0x44: {  	_ =	shalt  }
0x45: {  	_ =	shalt  }
0x46: {  	_ =	shalt  }
0x47: {  	_ =	shalt  }
0x48: {  	_ =	shalt  }
0x49: {  	_ =	shalt  }
0x4a: {  	_ =	shalt  }
0x4b: {  	_ =	shalt  }
0x4c: {  	_ =	shalt  }
0x4d: {  	_ =	shalt  }
0x4e: {  	_ =	shalt  }
0x4f: {  	_ =	shalt  }
0x50: {  	_ =	shalt  }
0x51: {  	_ =	shalt  }
0x52: {  	_ =	shalt  }
0x53: {  	_ =	shalt  }
0x54: {  	_ =	shalt  }
0x55: {  	_ =	shalt  }
0x56: {  	_ =	shalt  }
0x57: {  	_ =	shalt  }
0x58: {  	_ =	shalt  }
0x59: {  	_ =	shalt  }
0x5a: {  	_ =	shalt  }
0x5b: {  	_ =	shalt  }
0x5c: {  	_ =	shalt  }
0x5d: {  	_ =	shalt  }
0x5e: {  	_ =	shalt  }
0x5f: {  	_ =	shalt  }
0x60: {  	_ =	shalt  }
0x61: {  	_ =	shalt  }
0x62: {  	_ =	shalt  }
0x63: {  	_ =	shalt  }
0x64: {  	_ =	shalt  }
0x65: {  	_ =	shalt  }
0x66: {  	_ =	shalt  }
0x67: {  	_ =	shalt  }
0x68: {  	_ =	shalt  }
0x69: {  	_ =	shalt  }
0x6a: {  	_ =	shalt  }
0x6b: {  	_ =	shalt  }
0x6c: {  	_ =	shalt  }
0x6d: {  	_ =	shalt  }
0x6e: {  	_ =	shalt  }
0x6f: {  	_ =	shalt  }
0x70: {  	_ =	shalt  }
0x71: {  	_ =	shalt  }
0x72: {  	_ =	shalt  }
0x73: {  	_ =	shalt  }
0x74: {  	_ =	shalt  }
0x75: {  	_ =	shalt  }
0x76: {  	_ =	shalt  }
0x77: {  	_ =	shalt  }
0x78: {  	_ =	shalt  }
0x79: {  	_ =	shalt  }
0x7a: {  	_ =	shalt  }
0x7b: {  	_ =	shalt  }
0x7c: {  	_ =	shalt  }
0x7d: {  	_ =	shalt  }
0x7e: {  	_ =	shalt  }
0x7f: {  	_ =	shalt  }
0x80: {  	_ =	shalt  }
0x81: {  	_ =	shalt  }
0x82: {  	_ =	shalt  }
0x83: {  	_ =	shalt  }
0x84: {  	_ =	shalt  }
0x85: {  	_ =	shalt  }
0x86: {  	_ =	shalt  }
0x87: {  	_ =	shalt  }
.Lfunc_end0:
.L_simem_size_0:
called_computation_lowered:
.L_overlay_start_0:
0x88: {  	s2 =	sld [smem:$0x3FD9]  }
0x89: {  	s3 =	sld [smem:$0x3FFE];
	_ =	sdelay $0x1  }
0x8a: {  	s1 =	srdreg.scid  }
0x8b: {  	s0 =	sand.u32 $0x1, s1  }
0x8c: {  	s17 =	sshll.u32 s0, $0xA;
	s2 =	sadd.s32 s3, s2  }
0x8d: {  	s2 =	sadd.s32 s2, s17  }
0x8e: {  	[smem:$0x3FC5] =	sst s2  }
0x8f: {  	_ = 	snop  }
0x90: {  	s2 =	sld [smem:$0x3FC9];
	(tm) =	ssettm $0x1  }
0x91: {  	s18 =	sld [smem:$0x3FFB];
	_ =	sdelay $0x3  }
0x92: {  	_ =	strace s18  }
0x93: {  	s3 =	sld [smem:$0x3FFC];
	_ =	sdelay $0x3  }
0x94: {  	_ =	strace s3  }
0x95: {  	s3 =	sld [smem:$0x3FFD];
	_ =	sdelay $0x3  }
0x96: {  	_ =	strace s3  }
0x97: {  	_ =	strace $0x8FFFFFFF  }
0x98: {  	s19 =	sld [smem:$0x3FDB];
	_ =	sdelay $0x1  }
0x99: {  	s4 =	simm.s32 $_scs_section_size  }
0x9a: {  	s5 =	simm.s32 $_size__tile_overlayer_lowered;
	s6 =	simm.s32 $_tile_overlayer_lowered  }
0x9b: {  	s22 =	simm.s32 $0x1BFF;
	s21 =	sshll.u32 s6, $0x1;
	s3 =	sadd.s32 s4, s19  }
0x9c: {  	s7 =	simm.s32 $0x0;
	s20 =	sshll.u32 s5, $0x1;
	s5 =	sadd.s32 s21, s3  }
0x9d: {  	[timem:s7], [sflag:s22] =	dma.local [hbm:s5], s20  }
0x9e: {  	_ =	swait.ge [sflag:s22], s20  }
0x9f: {  	s4 =	ssub.s32 $0x0, s20;
	[sflag:s22] =	ssyncset.done $0x0  }
0xa0: {  	[sflag:s22] =	ssyncadd.s32 s4;
	_ =	sdelay $0x1  }
0xa1: {  	s23 =	simm.s32 $0x1B8B  }
0xa2: {  	_ =	swait.ge [sflag:s23], $0x1  }
0xa3: {  	[sflag:s23] =	ssyncset.done $0x0  }
0xa4: {  	s25 =	simm.s32 $0x1B8E;
	s24 =	sld [smem:$0x3FFE];
	[sflag:s23] =	ssyncadd.s32 $0xFFFFFFFF  }
0xa5: {  	s26 =	simm.s32 $execute0_lowered;
	[smem:$0x3FD2] =	sst s25  }
0xa6: {  	s5 =	sshll.u32 s26, $0x1;
	_ =	strace $0x80000046;
	[dreg:$0x1] =	wrdreg $0xFFFFFFFF  }
0xa7: {  	s28 =	simm.s32 $_size_execute0_lowered;
	s3 =	sadd.s32 s3, s5;
	[dreg:$0x0] =	wrdreg $0x0  }
0xa8: {  	s5 =	sshll.u32 s28, $0x1;
	[dreg:$0x2] =	wrdreg s3  }
0xa9: {  	[dreg:$0x3] =	wrdreg s5  }
0xaa: {  	[dreg:$0x4] =	wrdreg $0xC0  }
0xab: {  	_ =	task [dreg:s7], $0x5FFFF  }
0xac: {  	[dreg:$0x1] =	wrdreg $0xFFFFFFFF  }
0xad: {  	[dreg:$0x0] =	wrdreg $0x60  }
0xae: {  	[dreg:$0x2] =	wrdreg s2  }
0xaf: {  	[dreg:$0x3] =	wrdreg s24  }
0xb0: {  	[dreg:$0x4] =	wrdreg $0x9  }
0xb1: {  	_ =	task.clear_ibuf [dreg:s7], $0x5FFFF;
	_ =	strace $0x90000046  }
0xb2: {  	s29 =	simm.s32 $0x9;
	_ =	strace $0x80000048  }
0xb3: {  	_ =	swait.ge [sflag:s29], $0x1  }
0xb4: {  	[sflag:s29] =	ssyncadd.s32 $0xFFFFFFFF  }
0xb5: {  	_ =	strace $0x90000048  }
0xb6: {  	_ =	sfence  }
0xb7: {  	s30 =	sld [smem:$0x0];
	_ =	sdelay $0x2  }
0xb8: {  	s31 =	sshll.u32 s1, $0xD;
	s1 =	sshrl.u32 s1, $0x2  }
0xb9: {  	s3 =	sand.u32 $0x4000, s31;
	s1 =	sadd.s32 s1, s30  }
0xba: {  	s0 =	sor.u32 s3, s0;
	s1 =	sshll.u32 s1, $0x11  }
0xbb: {  	s0 =	sor.u32 s1, s0  }
0xbc: {  	s0 =	sadd.s32 $0x8F2B, s0  }
0xbd: {  	[sflag:s0] =	ssyncadd.remote.s32 $0x1  }
0xbe: {  	_ =	sfence.sel $0xFFFF  }
0xbf: {  	[dreg:$0x0] =	wrdreg $0xFFFFFFFF;
	(pc) =	sbr.abs _section_cstart, $3  }
0xc0: {  	[dreg:$0x1] =	wrdreg $0xFFFFFFFF  }
0xc1: {  	_ =	task.clear_ibuf [dreg:s7], $0x2FFFF;
	_ =	strace $0x9FFFFFFF  }
0xc2: {  	(tm) =	ssettm $0x7FFFFFFF  }
0xc3: {  	_ =	shalt  }
tec
execute0_lowered:
.L_overlay_start_1:
0x0: {  	(tag) =	ssettag $0x1  }
0x1: {  	s3 =	rddreg [dreg:$0x0]  }
0x2: {  	s17 =	rddreg [dreg:$0x1];
	s1 =	srdreg.scid  }
0x3: {  	s0 =	rddreg [dreg:$0x2];
	s18 =	sand.u32 $0x1, s1;
	s1 =	stileid.u32  }
0x4: {  	s2 =	simm.s32 $0x0;
	s4 =	sshll.u32 s18, $0x6;
	s5 =	sshll.u32 s1, $0x7  }
0x5: {  	[smem:$0x7FF] =	sst s2;
	s4 =	sor.u32 s4, s5  }
0x6: {  	_ =	strace $0x80000047;
	s4 =	sadd.s32 s3, s4;
	s3 =	simm.s32 $0x2  }
0x7: {  	[tilespmem:s2], [sflag:$0x2] =	stream.linear.gather [hbm4b:s4+s2], $0x80, $0x38;
	[tilespmem:$0x10200] =	vst v63  }
0x8: {  	_ =	swait.ge [sflag:s3], $0x80  }
0x9: {  	[sflag:s3] =	ssyncset.done $0x0  }
0xa: {  	s6 =	simm.s32 $0x80;
	s5 =	sadd.s32 $0x10, s4;
	[sflag:s3] =	ssyncadd.s32 $0xFFFFFF80  }
0xb: {  	[tilespmem:s6], [sflag:$0x2] =	stream.linear.gather [hbm4b:s5+s2], $0x80, $0x38;
	[tilespmem:$0x10200] =	vst v63  }
0xc: {  	_ =	swait.ge [sflag:s3], $0x80  }
0xd: {  	[sflag:s3] =	ssyncset.done $0x0  }
0xe: {  	s8 =	simm.s32 $0x100;
	s7 =	sadd.s32 $0x20, s4;
	[sflag:s3] =	ssyncadd.s32 $0xFFFFFF80  }
0xf: {  	[tilespmem:s8], [sflag:$0x2] =	stream.linear.gather [hbm4b:s7+s2], $0x80, $0x38;
	[tilespmem:$0x10200] =	vst v63  }
0x10: {  	_ =	swait.ge [sflag:s3], $0x80  }
0x11: {  	[sflag:s3] =	ssyncset.done $0x0  }
0x12: {  	s10 =	simm.s32 $0x180;
	s9 =	sadd.s32 $0x30, s4;
	[sflag:s3] =	ssyncadd.s32 $0xFFFFFF80  }
0x13: {  	[tilespmem:s10], [sflag:$0x2] =	stream.linear.gather [hbm4b:s9+s2], $0x80, $0x38;
	[tilespmem:$0x10200] =	vst v63  }
0x14: {  	_ =	swait.ge [sflag:s3], $0x80  }
0x15: {  	[sflag:s3] =	ssyncset.done $0x0  }
0x16: {  	s12 =	simm.s32 $0x200;
	s11 =	sadd.s32 $0xF42A00, s17;
	[sflag:s3] =	ssyncadd.s32 $0xFFFFFF80  }
0x17: {  	[tilespmem:s12], [sflag:$0x1] =	stream.indirect.gather [hbm4b:s11+s6], $0x80, s2, s6, $0xb8;
	[tilespmem:$0x10200] =	vst v63  }
0x18: {  	s13 =	simm.s32 $0x4200  }
0x19: {  	[tilespmem:s13], [sflag:$0x1] =	stream.indirect.gather [hbm4b:s11+s6], $0x80, s6, s6, $0xb8;
	[tilespmem:$0x10200] =	vst v63  }
0x1a: {  	s14 =	simm.s32 $0x8200  }
0x1b: {  	[tilespmem:s14], [sflag:$0x1] =	stream.indirect.gather [hbm4b:s11+s6], $0x80, s8, s6, $0xb8;
	[tilespmem:$0x10200] =	vst v63  }
0x1c: {  	s15 =	simm.s32 $0xC200;
	s16 =	simm.s32 $0x1  }
0x1d: {  	[tilespmem:s15], [sflag:$0x1] =	stream.indirect.gather [hbm4b:s11+s6], $0x80, s10, s6, $0xb8;
	[tilespmem:$0x10200] =	vst v63  }
0x1e: {  	_ =	swait.ge [sflag:s16], $0x4000  }
0x1f: {  	[sflag:s16] =	ssyncset.done $0x0  }
0x20: {  	[sflag:s16] =	ssyncadd.s32 $0xFFFFC000  }
0x21: {  	_ =	swait.ge [sflag:s16], $0x4000  }
0x22: {  	[sflag:s16] =	ssyncset.done $0x0  }
0x23: {  	s19 =	sshll.u32 s18, $0xD;
	s18 =	ssub.s32 $0x2, s18;
	[sflag:s16] =	ssyncadd.s32 $0xFFFFC000  }
0x24: {  	s31 =	sshrl.u32 s18, $0x1;
	_ =	swait.ge [sflag:s16], $0x4000  }
0x25: {  	s18 =	ssub.s32 s18, s31;
	[sflag:s16] =	ssyncset.done $0x0  }
0x26: {  	s20 =	sshll.u32 s1, $0xE;
	s18 =	smax.u32 s18, $0x1;
	[sflag:s16] =	ssyncadd.s32 $0xFFFFC000  }
0x27: {  	s17 =	sadd.s32 s19, s17;
	p0 =	sne.s32 s18, $0x1;
	_ =	swait.ge [sflag:s16], $0x4000  }
.Ltmp0:
0x28: {  	s17 =	sadd.s32 s20, s17;
	[sflag:s16] =	ssyncset.done $0x0;
	(pc) =	sbr.rel @!p0 .LBB2_2-.Ltmp0, $4  }
0x29: {  	s17 =	sadd.s32 $0x600, s17;
	[sflag:s16] =	ssyncadd.s32 $0xFFFFC000  }
0x2a: {  	[hbm4b:s17+s2] =	stream.linear.scatter [tilespmem:s12], [sflag:$0x2], $0x10000, $0x38;
	[tilespmem:$0x10200] =	vst v63  }
0x2b: {  	_ =	swait.ge [sflag:s3], $0x10000  }
0x2c: {  	s18 =	sadd.s32 $0xFFFFFFFF, s18;
	[sflag:s3] =	ssyncset.done $0x0  }
.LBB2_1:
0x2d: {  	p0 =	sne.s32 s18, $0x1;
	s18 =	sadd.s32 $0xFFFFFFFF, s18;
	[sflag:s3] =	ssyncadd.s32 $0xFFFF0000  }
0x2e: {  	[tilespmem:s2], [sflag:$0x2] =	stream.linear.gather [hbm4b:s4+s2], $0x80, $0x38;
	[tilespmem:$0x10200] =	vst v63  }
0x2f: {  	_ =	swait.ge [sflag:s3], $0x80  }
0x30: {  	[sflag:s3] =	ssyncset.done $0x0  }
0x31: {  	[sflag:s3] =	ssyncadd.s32 $0xFFFFFF80  }
0x32: {  	[tilespmem:s6], [sflag:$0x2] =	stream.linear.gather [hbm4b:s5+s2], $0x80, $0x38;
	[tilespmem:$0x10200] =	vst v63  }
0x33: {  	_ =	swait.ge [sflag:s3], $0x80  }
0x34: {  	[sflag:s3] =	ssyncset.done $0x0  }
0x35: {  	[sflag:s3] =	ssyncadd.s32 $0xFFFFFF80  }
0x36: {  	[tilespmem:s8], [sflag:$0x2] =	stream.linear.gather [hbm4b:s7+s2], $0x80, $0x38;
	[tilespmem:$0x10200] =	vst v63  }
0x37: {  	_ =	swait.ge [sflag:s3], $0x80  }
0x38: {  	[sflag:s3] =	ssyncset.done $0x0  }
0x39: {  	[sflag:s3] =	ssyncadd.s32 $0xFFFFFF80  }
0x3a: {  	[tilespmem:s10], [sflag:$0x2] =	stream.linear.gather [hbm4b:s9+s2], $0x80, $0x38;
	[tilespmem:$0x10200] =	vst v63  }
0x3b: {  	_ =	swait.ge [sflag:s3], $0x80  }
0x3c: {  	[sflag:s3] =	ssyncset.done $0x0  }
0x3d: {  	[sflag:s3] =	ssyncadd.s32 $0xFFFFFF80  }
0x3e: {  	[tilespmem:s12], [sflag:$0x1] =	stream.indirect.gather [hbm4b:s11+s6], $0x80, s2, s6, $0xb8;
	[tilespmem:$0x10200] =	vst v63  }
0x3f: {  	_ = 	snop  }
0x40: {  	[tilespmem:s13], [sflag:$0x1] =	stream.indirect.gather [hbm4b:s11+s6], $0x80, s6, s6, $0xb8;
	[tilespmem:$0x10200] =	vst v63  }
0x41: {  	_ = 	snop  }
0x42: {  	[tilespmem:s14], [sflag:$0x1] =	stream.indirect.gather [hbm4b:s11+s6], $0x80, s8, s6, $0xb8;
	[tilespmem:$0x10200] =	vst v63  }
0x43: {  	_ = 	snop  }
0x44: {  	[tilespmem:s15], [sflag:$0x1] =	stream.indirect.gather [hbm4b:s11+s6], $0x80, s10, s6, $0xb8;
	[tilespmem:$0x10200] =	vst v63  }
0x45: {  	_ =	swait.ge [sflag:s16], $0x4000  }
0x46: {  	[sflag:s16] =	ssyncset.done $0x0  }
0x47: {  	[sflag:s16] =	ssyncadd.s32 $0xFFFFC000  }
0x48: {  	_ =	swait.ge [sflag:s16], $0x4000  }
0x49: {  	[sflag:s16] =	ssyncset.done $0x0  }
0x4a: {  	[sflag:s16] =	ssyncadd.s32 $0xFFFFC000  }
0x4b: {  	_ =	swait.ge [sflag:s16], $0x4000  }
0x4c: {  	[sflag:s16] =	ssyncset.done $0x0  }
0x4d: {  	[sflag:s16] =	ssyncadd.s32 $0xFFFFC000  }
0x4e: {  	_ =	swait.ge [sflag:s16], $0x4000  }
.Ltmp1:
0x4f: {  	[sflag:s16] =	ssyncset.done $0x0;
	(pc) =	sbr.rel @p0 .LBB2_1-.Ltmp1, $4  }
0x50: {  	[sflag:s16] =	ssyncadd.s32 $0xFFFFC000  }
0x51: {  	[hbm4b:s17+s2] =	stream.linear.scatter [tilespmem:s12], [sflag:$0x2], $0x10000, $0x38;
	[tilespmem:$0x10200] =	vst v63  }
0x52: {  	_ =	swait.ge [sflag:s3], $0x10000  }
0x53: {  	[sflag:s3] =	ssyncset.done $0x0  }
.LBB2_2:
0x54: {  	[sflag:s3] =	ssyncadd.s32 $0xFFFF0000  }
0x55: {  	_ =	sfence.sel $0x180000  }
0x56: {  	[bflag:$0x0] =	sbarrier.arrive $0xFFFF  }
0x57: {  	p0 =	sne.s32 s1, $0x0;
	_ =	strace $0x90000047  }
0x58: {  	s0 =	sadd.s32 @!p0 $0x100000, s0;
	[bflag:$0x2] =	sbarrier.arrive $0xFFFF  }
0x59: {  	[sflag:s0] =	ssyncadd.tile.s32 @!p0 $0x1;
	_ =	shalt  }
.Lfunc_end2:
_tile_overlayer_lowered:
.L_overlay_start_2:
0x5a: {  	(tag) =	ssettag $0x2  }
0x5b: {  	s0 =	rddreg [dreg:$0x0];
	s2 =	stileid.u32  }
0x5c: {  	s1 =	rddreg [dreg:$0x1];
	p0 =	sne.s32 s2, $0x0  }
0x5d: {  	s3 =	rddreg [dreg:$0x2];
	[bflag:$0x3] =	sbarrier.arrive $0xFFFF;
	s2 =	simm.s32 @!p0 $0x1C02  }
0x5e: {  	[timem:s3], [sflag:s2] =	dma.local @!p0 [hbm:s0], s1  }
0x5f: {  	s0 =	simm.s32 @!p0 $0x2  }
0x60: {  	_ =	swait.ge @!p0 [sflag:s0], s1  }
0x61: {  	s1 =	ssub.s32 @!p0 $0x0, s1;
	[sflag:s0] =	ssyncset.done @!p0 $0x0  }
0x62: {  	[sflag:s0] =	ssyncadd.s32 @!p0 s1  }
0x63: {  	[bflag:$0x3] =	sbarrier.arrive $0xFFFF  }
0x64: {  	_ =	shalt  }

</sc_bundles>
